<compile_context>
chip_gen: v7x
topology: tpu7x:2x2x1
jax: 0.10.2.dev20260603
libtpu: 0.0.44.dev20260713+nightly
codegen_flags: <defaults>
</compile_context>

<pallas_src>
import jax
import jax.numpy as jnp
from jax import lax
from jax.experimental import pallas as pl
from jax.experimental.pallas import tpu as pltpu
from jax.experimental.pallas import tpu_sc as plsc

_NC = 2
_NS = 16
_NW = _NC * _NS

_B = 16384
_PROD_DIM = 32
_CAT_DIM = 16
_IN_DIM = 48
_OUT_DIM = 32
_BPW = _B // _NW

_NPROD = 100001
_RPAD = 100352
_QUARTER = _RPAD // 4
_RBLK = 3584

_NCAT = 1001
_CPAD = 1024
_CQUARTER = _CPAD // 4



def _pw_body(t_ref, wt_ref, b_ref, o_ref):
    w1t = wt_ref[:, 0:_PROD_DIM]
    dn = (((0,), (1,)), ((), ()))
    for p in range(4):
        o_ref[:, 32 * p:32 * (p + 1)] = lax.dot_general(
            t_ref[:, p * _RBLK:(p + 1) * _RBLK], w1t, dn,
            preferred_element_type=jnp.float32) + b_ref[...]


def _pw_repack(tab_t, w_t, b2):
    grid = _QUARTER // _RBLK
    return pl.pallas_call(
        _pw_body,
        grid=(grid,),
        in_specs=[
            pl.BlockSpec((_PROD_DIM, 4 * _RBLK), lambda i: (0, i)),
            pl.BlockSpec((_OUT_DIM, _IN_DIM), lambda i: (0, 0)),
            pl.BlockSpec((1, _OUT_DIM), lambda i: (0, 0)),
        ],
        out_specs=pl.BlockSpec((_RBLK, 4 * _PROD_DIM), lambda i: (i, 0)),
        out_shape=jax.ShapeDtypeStruct((_QUARTER, 4 * _PROD_DIM),
                                       jnp.float32),
    )(tab_t, w_t, b2)


def _cw_body(t0_ref, t1_ref, t2_ref, t3_ref, wt_ref, o_ref):
    w2t = wt_ref[:, _PROD_DIM:_IN_DIM]
    dn = (((0,), (1,)), ((), ()))
    for p, t_ref in enumerate((t0_ref, t1_ref, t2_ref, t3_ref)):
        o_ref[:, 32 * p:32 * (p + 1)] = lax.dot_general(
            t_ref[...], w2t, dn, preferred_element_type=jnp.float32)


def _cw_repack(ctab_t, w_t):
    def spec(p):
        return pl.BlockSpec((_CAT_DIM, _CQUARTER),
                            lambda i, p=p: (0, p))

    return pl.pallas_call(
        _cw_body,
        grid=(1,),
        in_specs=[
            spec(0), spec(1), spec(2), spec(3),
            pl.BlockSpec((_OUT_DIM, _IN_DIM), lambda i: (0, 0)),
        ],
        out_specs=pl.BlockSpec((_CQUARTER, 4 * _OUT_DIM), lambda i: (i, 0)),
        out_shape=jax.ShapeDtypeStruct((_CQUARTER, 4 * _OUT_DIM),
                                       jnp.float32),
    )(ctab_t, ctab_t, ctab_t, ctab_t, w_t)



def _sc_gather_body(pid_hbm, cat_hbm, ptab_hbm, ctab_hbm, out_hbm,
                    pidx_v, cidx_v, prow_v, crow_v, sem_p, sem_c):
    wid = lax.axis_index("s") * _NC + lax.axis_index("c")
    base = wid * _BPW
    pltpu.sync_copy(pid_hbm.at[pl.ds(base, _BPW)], pidx_v)
    pltpu.sync_copy(cat_hbm.at[pl.ds(base, _BPW)], cidx_v)
    cp_p = pltpu.async_copy(ptab_hbm.at[pidx_v], prow_v, sem_p)
    cp_c = pltpu.async_copy(ctab_hbm.at[cidx_v], crow_v, sem_c)
    cp_p.wait()
    cp_c.wait()

    def addrow(i, carry):
        pr = prow_v.at[i]
        cr = crow_v.at[i]
        pr[pl.ds(0, 16)] = pr[pl.ds(0, 16)] + cr[pl.ds(0, 16)]
        pr[pl.ds(16, 16)] = pr[pl.ds(16, 16)] + cr[pl.ds(16, 16)]
        return carry

    lax.fori_loop(0, _BPW, addrow, 0)
    pltpu.sync_copy(prow_v, out_hbm.at[pl.ds(base, _BPW)])


_sc_gather = pl.kernel(
    _sc_gather_body,
    out_type=jax.ShapeDtypeStruct((_B, _OUT_DIM), jnp.float32),
    name="sc_gather_add",
    mesh=plsc.VectorSubcoreMesh(core_axis_name="c", subcore_axis_name="s"),
    scratch_types=[
        pltpu.VMEM((_BPW,), jnp.int32),
        pltpu.VMEM((_BPW,), jnp.int32),
        pltpu.VMEM((_BPW, _OUT_DIM), jnp.float32),
        pltpu.VMEM((_BPW, _OUT_DIM), jnp.float32),
        pltpu.SemaphoreType.DMA,
        pltpu.SemaphoreType.DMA,
    ],
    compiler_params=pltpu.CompilerParams(use_tc_tiling_on_sc=False),
)


@jax.jit
def kernel(product_id, category, product_table, category_table, W, b):
    w_t = W.T
    b2 = b.reshape(1, _OUT_DIM)
    pw = _pw_repack(product_table.T, w_t, b2).reshape(_RPAD, _OUT_DIM)
    cw = _cw_repack(category_table.T, w_t).reshape(_CPAD, _OUT_DIM)
    blk = product_id // (4 * _RBLK)
    m = product_id % (4 * _RBLK)
    pid2 = 4 * (blk * _RBLK + m % _RBLK) + m // _RBLK
    cid2 = (category % _CQUARTER) * 4 + category // _CQUARTER
    return _sc_gather(pid2, cid2, pw, cw)

# --- scband reference (transcript-rebuilt; emitter-appended) ---
"""Pipeline reference for scband-product-model-20899310862961 (READ-ONLY COPY).

The authoritative reference and input builder live on the scoring server;
editing this copy changes nothing except your own understanding.
"""

import jax, jax.numpy as jnp
import numpy as np

NUM_PRODUCTS = 100001
NUM_CATEGORIES = 1001
PROD_DIM = 32
CAT_DIM = 16
DENSE_UNITS = 32
BATCH = 16384


def setup_inputs(seed: int = 0) -> dict:
    key = jax.random.key(seed)
    k1, k2, k3, k4, k5, k6 = jax.random.split(key, 6)
    product_id = jax.random.randint(k1, (BATCH,), 0, NUM_PRODUCTS, dtype=jnp.int32)
    category = jax.random.randint(k2, (BATCH,), 0, NUM_CATEGORIES, dtype=jnp.int32)
    product_table = jax.random.normal(k3, (NUM_PRODUCTS, PROD_DIM), dtype=jnp.float32) * 0.05
    category_table = jax.random.normal(k4, (NUM_CATEGORIES, CAT_DIM), dtype=jnp.float32) * 0.05
    W = jax.random.normal(k5, (PROD_DIM + CAT_DIM, DENSE_UNITS), dtype=jnp.float32) * (1.0 / np.sqrt(PROD_DIM + CAT_DIM))
    b = jnp.zeros((DENSE_UNITS,), dtype=jnp.float32)
    return {
        'product_id': product_id,
        'category': category,
        'product_table': product_table,
        'category_table': category_table,
        'W': W,
        'b': b,
    }


def reference(product_id, category, product_table, category_table, W, b):
    # product embedding lookup (StringLookup replaced by integer ids)
    prod_emb = jnp.take(product_table, product_id, axis=0)   # [B, 32]
    cat_emb = jnp.take(category_table, category, axis=0)     # [B, 16]
    x = jnp.concatenate([prod_emb, cat_emb], axis=1)         # [B, 48]
    out = x @ W + b                                          # [B, 32]
    return out

if __name__ == "__main__":
    import jax
    _d = setup_inputs()
    print(jax.jit(kernel)(*tuple(_d.values())))

</pallas_src>

<mosaic_0001>
#map = affine_map<(d0, d1) -> (0)>
#map1 = affine_map<(d0, d1) -> (0, 0)>
module attributes {stable_mosaic.version = 14 : i64} {
  func.func @sc_gather_add(%arg0: i32, %arg1: i32, %arg2: memref<16384xi32, #tpu.memory_space<hbm>>, %arg3: memref<16384xi32, #tpu.memory_space<hbm>>, %arg4: memref<100352x32xf32, #tpu.memory_space<hbm>>, %arg5: memref<1024x32xf32, #tpu.memory_space<hbm>>, %arg6: memref<16384x32xf32, #tpu.memory_space<hbm>>, %arg7: memref<512xi32, #tpu.memory_space<vmem>>, %arg8: memref<512xi32, #tpu.memory_space<vmem>>, %arg9: memref<512x32xf32, #tpu.memory_space<vmem>>, %arg10: memref<512x32xf32, #tpu.memory_space<vmem>>, %arg11: memref<!tpu.dma_semaphore, #tpu.memory_space<semaphore_mem>>, %arg12: memref<!tpu.dma_semaphore, #tpu.memory_space<semaphore_mem>>) attributes {dimension_semantics = [#tpu.dimension_semantics<core_parallel>, #tpu.dimension_semantics<subcore_parallel>], iteration_bounds = array<i64: 2, 16>, scalar_prefetch = 0 : i64, scratch_operands = 6 : i64, tpu.core_type = #tpu.core_type<sc_vector_subcore>, window_params = [{transform_indices = #map}, {transform_indices = #map}, {transform_indices = #map1}, {transform_indices = #map1}, {transform_indices = #map1}]} {
    %mul3A = arith.constant 2 : i32
    %mul3A_0 = arith.muli %arg1, %mul3A : i32
    %add3A = arith.addi %mul3A_0, %arg0 : i32
    %mul3A_1 = arith.constant 512 : i32
    %mul3A_2 = arith.muli %add3A, %mul3A_1 : i32
    "tpu.region"() ({
      %run_scoped3A = tpu.sem_alloc : memref<!tpu.dma_semaphore, #tpu.memory_space<semaphore_mem>>
      %dma_start3A_18 = tpu.memref_slice %arg2[%mul3A_2] : memref<16384xi32, #tpu.memory_space<hbm>> -> memref<512xi32, #tpu.memory_space<hbm>>
      %dma_start3A_19 = tpu.memref_slice %arg2[%mul3A_2] : memref<16384xi32, #tpu.memory_space<hbm>> -> memref<512xi32, #tpu.memory_space<hbm>>
      tpu.enqueue_dma source(%dma_start3A_19 : memref<512xi32, #tpu.memory_space<hbm>>) target(%arg7 : memref<512xi32, #tpu.memory_space<vmem>>) target_semaphore(%run_scoped3A : memref<!tpu.dma_semaphore, #tpu.memory_space<semaphore_mem>>)
      %dma_wait3A_20 = tpu.memref_slice %arg2[%mul3A_2] : memref<16384xi32, #tpu.memory_space<hbm>> -> memref<512xi32, #tpu.memory_space<hbm>>
      %dma_wait3A_21 = tpu.memref_slice %arg2[%mul3A_2] : memref<16384xi32, #tpu.memory_space<hbm>> -> memref<512xi32, #tpu.memory_space<hbm>>
      tpu.wait_dma2 semaphore(%run_scoped3A : memref<!tpu.dma_semaphore, #tpu.memory_space<semaphore_mem>>) src(%dma_wait3A_21 : memref<512xi32, #tpu.memory_space<hbm>>) dst(%arg7 : memref<512xi32, #tpu.memory_space<vmem>>)
      tpu.yield
    }) : () -> ()
    "tpu.region"() ({
      %run_scoped3A = tpu.sem_alloc : memref<!tpu.dma_semaphore, #tpu.memory_space<semaphore_mem>>
      %dma_start3A_18 = tpu.memref_slice %arg3[%mul3A_2] : memref<16384xi32, #tpu.memory_space<hbm>> -> memref<512xi32, #tpu.memory_space<hbm>>
      %dma_start3A_19 = tpu.memref_slice %arg3[%mul3A_2] : memref<16384xi32, #tpu.memory_space<hbm>> -> memref<512xi32, #tpu.memory_space<hbm>>
      tpu.enqueue_dma source(%dma_start3A_19 : memref<512xi32, #tpu.memory_space<hbm>>) target(%arg8 : memref<512xi32, #tpu.memory_space<vmem>>) target_semaphore(%run_scoped3A : memref<!tpu.dma_semaphore, #tpu.memory_space<semaphore_mem>>)
      %dma_wait3A_20 = tpu.memref_slice %arg3[%mul3A_2] : memref<16384xi32, #tpu.memory_space<hbm>> -> memref<512xi32, #tpu.memory_space<hbm>>
      %dma_wait3A_21 = tpu.memref_slice %arg3[%mul3A_2] : memref<16384xi32, #tpu.memory_space<hbm>> -> memref<512xi32, #tpu.memory_space<hbm>>
      tpu.wait_dma2 semaphore(%run_scoped3A : memref<!tpu.dma_semaphore, #tpu.memory_space<semaphore_mem>>) src(%dma_wait3A_21 : memref<512xi32, #tpu.memory_space<hbm>>) dst(%arg8 : memref<512xi32, #tpu.memory_space<vmem>>)
      tpu.yield
    }) : () -> ()
    %dma_start3A = arith.constant 0 : i32
    %dma_start3A_3 = arith.constant 0 : i32
    %dma_start3A_4 = tpu.memref_slice %arg4[%dma_start3A, %dma_start3A_3] : memref<100352x32xf32, #tpu.memory_space<hbm>> -> memref<100352x32xf32, #tpu.memory_space<hbm>>
    tpu.enqueue_indirect_dma source(%dma_start3A_4 : memref<100352x32xf32, #tpu.memory_space<hbm>>) target(%arg9 : memref<512x32xf32, #tpu.memory_space<vmem>>) offsets(%arg7 : memref<512xi32, #tpu.memory_space<vmem>>) semaphore(%arg11 : memref<!tpu.dma_semaphore, #tpu.memory_space<semaphore_mem>>)
    %dma_start3A_5 = arith.constant 0 : i32
    %dma_start3A_6 = arith.constant 0 : i32
    %dma_start3A_7 = tpu.memref_slice %arg5[%dma_start3A_5, %dma_start3A_6] : memref<1024x32xf32, #tpu.memory_space<hbm>> -> memref<1024x32xf32, #tpu.memory_space<hbm>>
    tpu.enqueue_indirect_dma source(%dma_start3A_7 : memref<1024x32xf32, #tpu.memory_space<hbm>>) target(%arg10 : memref<512x32xf32, #tpu.memory_space<vmem>>) offsets(%arg8 : memref<512xi32, #tpu.memory_space<vmem>>) semaphore(%arg12 : memref<!tpu.dma_semaphore, #tpu.memory_space<semaphore_mem>>)
    %dma_wait3A = arith.constant 0 : i32
    %dma_wait3A_8 = arith.constant 0 : i32
    %dma_wait3A_9 = tpu.memref_slice %arg4[%dma_wait3A, %dma_wait3A_8] : memref<100352x32xf32, #tpu.memory_space<hbm>> -> memref<100352x32xf32, #tpu.memory_space<hbm>>
    tpu.wait_indirect_dma semaphore(%arg11 : memref<!tpu.dma_semaphore, #tpu.memory_space<semaphore_mem>>) src(%dma_wait3A_9 : memref<100352x32xf32, #tpu.memory_space<hbm>>) dst(%arg9 : memref<512x32xf32, #tpu.memory_space<vmem>>)
    %dma_wait3A_10 = arith.constant 0 : i32
    %dma_wait3A_11 = arith.constant 0 : i32
    %dma_wait3A_12 = tpu.memref_slice %arg5[%dma_wait3A_10, %dma_wait3A_11] : memref<1024x32xf32, #tpu.memory_space<hbm>> -> memref<1024x32xf32, #tpu.memory_space<hbm>>
    tpu.wait_indirect_dma semaphore(%arg12 : memref<!tpu.dma_semaphore, #tpu.memory_space<semaphore_mem>>) src(%dma_wait3A_12 : memref<1024x32xf32, #tpu.memory_space<hbm>>) dst(%arg10 : memref<512x32xf32, #tpu.memory_space<vmem>>)
    %scan3A = arith.constant 0 : i32
    %scan3A_13 = arith.constant 0 : i32
    %scan3A_14 = arith.constant 512 : i32
    %scan3A_15 = arith.addi %scan3A_13, %scan3A_14 : i32
    %scan3A_16 = arith.constant 1 : i32
    scf.for %scan3A_18 = %scan3A_13 to %scan3A_15 step %scan3A_16  : i32 {
      %get3A = arith.constant 0 : i32
      %get3A_19 = tpu.memref_slice %arg9[%scan3A_18, %get3A] : memref<512x32xf32, #tpu.memory_space<vmem>> -> memref<1x32xf32, #tpu.memory_space<vmem>>
      %get3A_20 = tpu.memref_squeeze %get3A_19 : memref<1x32xf32, #tpu.memory_space<vmem>> -> memref<32xf32, #tpu.memory_space<vmem>>
      %get3A_21 = arith.constant 0 : index
      %get3A_22 = tpu.vector_load %get3A_20[%get3A_21] {strides = array<i32>} : memref<32xf32, #tpu.memory_space<vmem>>, vector<16xf32>,
      %get3A_23 = vector.shape_cast %get3A_22 : vector<16xf32> to vector<16xf32>
      %get3A_24 = arith.constant 0 : i32
      %get3A_25 = tpu.memref_slice %arg10[%scan3A_18, %get3A_24] : memref<512x32xf32, #tpu.memory_space<vmem>> -> memref<1x32xf32, #tpu.memory_space<vmem>>
      %get3A_26 = tpu.memref_squeeze %get3A_25 : memref<1x32xf32, #tpu.memory_space<vmem>> -> memref<32xf32, #tpu.memory_space<vmem>>
      %get3A_27 = arith.constant 0 : index
      %get3A_28 = tpu.vector_load %get3A_26[%get3A_27] {strides = array<i32>} : memref<32xf32, #tpu.memory_space<vmem>>, vector<16xf32>,
      %get3A_29 = vector.shape_cast %get3A_28 : vector<16xf32> to vector<16xf32>
      %add3A_30 = arith.addf %get3A_23, %get3A_29 : vector<16xf32>
      %swap3A = arith.constant 0 : i32
      %swap3A_31 = tpu.memref_slice %arg9[%scan3A_18, %swap3A] : memref<512x32xf32, #tpu.memory_space<vmem>> -> memref<1x32xf32, #tpu.memory_space<vmem>>
      %swap3A_32 = tpu.memref_squeeze %swap3A_31 : memref<1x32xf32, #tpu.memory_space<vmem>> -> memref<32xf32, #tpu.memory_space<vmem>>
      %swap3A_33 = arith.constant 0 : index
      %swap3A_34 = tpu.vector_load %swap3A_32[%swap3A_33] {strides = array<i32>} : memref<32xf32, #tpu.memory_space<vmem>>, vector<16xf32>,
      %swap3A_35 = vector.shape_cast %swap3A_34 : vector<16xf32> to vector<16xf32>
      %swap3A_36 = vector.shape_cast %add3A_30 : vector<16xf32> to vector<16xf32>
      tpu.vector_store %swap3A_32[%swap3A_33], %swap3A_36 {strides = array<i32>} : memref<32xf32, #tpu.memory_space<vmem>>, vector<16xf32>,
      %get3A_37 = arith.constant 0 : i32
      %get3A_38 = tpu.memref_slice %arg9[%scan3A_18, %get3A_37] : memref<512x32xf32, #tpu.memory_space<vmem>> -> memref<1x32xf32, #tpu.memory_space<vmem>>
      %get3A_39 = tpu.memref_squeeze %get3A_38 : memref<1x32xf32, #tpu.memory_space<vmem>> -> memref<32xf32, #tpu.memory_space<vmem>>
      %get3A_40 = arith.constant 16 : index
      %get3A_41 = tpu.vector_load %get3A_39[%get3A_40] {strides = array<i32>} : memref<32xf32, #tpu.memory_space<vmem>>, vector<16xf32>,
      %get3A_42 = vector.shape_cast %get3A_41 : vector<16xf32> to vector<16xf32>
      %get3A_43 = arith.constant 0 : i32
      %get3A_44 = tpu.memref_slice %arg10[%scan3A_18, %get3A_43] : memref<512x32xf32, #tpu.memory_space<vmem>> -> memref<1x32xf32, #tpu.memory_space<vmem>>
      %get3A_45 = tpu.memref_squeeze %get3A_44 : memref<1x32xf32, #tpu.memory_space<vmem>> -> memref<32xf32, #tpu.memory_space<vmem>>
      %get3A_46 = arith.constant 16 : index
      %get3A_47 = tpu.vector_load %get3A_45[%get3A_46] {strides = array<i32>} : memref<32xf32, #tpu.memory_space<vmem>>, vector<16xf32>,
      %get3A_48 = vector.shape_cast %get3A_47 : vector<16xf32> to vector<16xf32>
      %add3A_49 = arith.addf %get3A_42, %get3A_48 : vector<16xf32>
      %swap3A_50 = arith.constant 0 : i32
      %swap3A_51 = tpu.memref_slice %arg9[%scan3A_18, %swap3A_50] : memref<512x32xf32, #tpu.memory_space<vmem>> -> memref<1x32xf32, #tpu.memory_space<vmem>>
      %swap3A_52 = tpu.memref_squeeze %swap3A_51 : memref<1x32xf32, #tpu.memory_space<vmem>> -> memref<32xf32, #tpu.memory_space<vmem>>
      %swap3A_53 = arith.constant 16 : index
      %swap3A_54 = tpu.vector_load %swap3A_52[%swap3A_53] {strides = array<i32>} : memref<32xf32, #tpu.memory_space<vmem>>, vector<16xf32>,
      %swap3A_55 = vector.shape_cast %swap3A_54 : vector<16xf32> to vector<16xf32>
      %swap3A_56 = vector.shape_cast %add3A_49 : vector<16xf32> to vector<16xf32>
      tpu.vector_store %swap3A_52[%swap3A_53], %swap3A_56 {strides = array<i32>} : memref<32xf32, #tpu.memory_space<vmem>>, vector<16xf32>,
    }
    %scan3A_17 = arith.constant 512 : i32
    "tpu.region"() ({
      %run_scoped3A = tpu.sem_alloc : memref<!tpu.dma_semaphore, #tpu.memory_space<semaphore_mem>>
      %dma_start3A_18 = arith.constant 0 : i32
      %dma_start3A_19 = tpu.memref_slice %arg6[%mul3A_2, %dma_start3A_18] : memref<16384x32xf32, #tpu.memory_space<hbm>> -> memref<512x32xf32, #tpu.memory_space<hbm>>
      %dma_start3A_20 = arith.constant 0 : i32
      %dma_start3A_21 = tpu.memref_slice %arg6[%mul3A_2, %dma_start3A_20] : memref<16384x32xf32, #tpu.memory_space<hbm>> -> memref<512x32xf32, #tpu.memory_space<hbm>>
      tpu.enqueue_dma source(%arg9 : memref<512x32xf32, #tpu.memory_space<vmem>>) target(%dma_start3A_21 : memref<512x32xf32, #tpu.memory_space<hbm>>) target_semaphore(%run_scoped3A : memref<!tpu.dma_semaphore, #tpu.memory_space<semaphore_mem>>)
      %dma_wait3A_22 = arith.constant 0 : i32
      %dma_wait3A_23 = tpu.memref_slice %arg6[%mul3A_2, %dma_wait3A_22] : memref<16384x32xf32, #tpu.memory_space<hbm>> -> memref<512x32xf32, #tpu.memory_space<hbm>>
      %dma_wait3A_24 = arith.constant 0 : i32
      %dma_wait3A_25 = tpu.memref_slice %arg6[%mul3A_2, %dma_wait3A_24] : memref<16384x32xf32, #tpu.memory_space<hbm>> -> memref<512x32xf32, #tpu.memory_space<hbm>>
      tpu.wait_dma2 semaphore(%run_scoped3A : memref<!tpu.dma_semaphore, #tpu.memory_space<semaphore_mem>>) src(%arg9 : memref<512x32xf32, #tpu.memory_space<vmem>>) dst(%dma_wait3A_25 : memref<512x32xf32, #tpu.memory_space<hbm>>)
      tpu.yield
    }) : () -> ()
    return
  }
}

module attributes {stable_mosaic.version = 14 : i64} {
  func.func @_pw_body(%arg0: i32, %arg1: memref<32x14336xf32, #tpu.memory_space<vmem>>, %arg2: memref<32x48xf32, #tpu.memory_space<vmem>>, %arg3: memref<1x32xf32, #tpu.memory_space<vmem>>, %arg4: memref<3584x128xf32, #tpu.memory_space<vmem>>) attributes {dimension_semantics = [#tpu.dimension_semantics<arbitrary>], iteration_bounds = array<i64: 7>, scalar_prefetch = 0 : i64, scratch_operands = 0 : i64, tpu.core_type = #tpu.core_type<tc>, window_params = [{transform_indices = @transform_0, window_bounds = array<i64: 32, 14336>}, {pipeline_mode = #tpu.pipeline_mode<synchronous>, transform_indices = @transform_1, window_bounds = array<i64: 32, 48>}, {pipeline_mode = #tpu.pipeline_mode<synchronous>, transform_indices = @transform_2, window_bounds = array<i64: 1, 32>}, {transform_indices = @transform_3, window_bounds = array<i64: 3584, 128>}]} {
    %get3A = arith.constant 0 : index
    %get3A_0 = arith.constant 0 : index
    %get3A_1 = vector.load %arg2[%get3A, %get3A_0] : memref<32x48xf32, #tpu.memory_space<vmem>>, vector<32x32xf32>
    %get3A_2 = arith.constant 0 : index
    %get3A_3 = arith.constant 0 : index
    %get3A_4 = vector.load %arg1[%get3A_2, %get3A_3] : memref<32x14336xf32, #tpu.memory_space<vmem>>, vector<32x3584xf32>
    %dot_general3A = arith.constant dense<0.000000e+00> : vector<3584x32xf32>
    %dot_general3A_5 = tpu.matmul %get3A_4, %get3A_1, %dot_general3A {dimension_numbers = #tpu.dot_dimension_numbers<[0], [1], [1], [0], [0, 1, 1, 0], [], []>, transpose_lhs_hint = false} : vector<32x3584xf32>, vector<32x32xf32>, vector<3584x32xf32> -> vector<3584x32xf32>
    %get3A_6 = arith.constant 0 : index
    %get3A_7 = arith.constant 0 : index
    %get3A_8 = vector.load %arg3[%get3A_6, %get3A_7] : memref<1x32xf32, #tpu.memory_space<vmem>>, vector<1x32xf32>
    %add3A = vector.broadcast %get3A_8 : vector<1x32xf32> to vector<3584x32xf32>
    %add3A_9 = arith.addf %dot_general3A_5, %add3A : vector<3584x32xf32>
    %swap3A = arith.constant 0 : index
    %swap3A_10 = arith.constant 0 : index
    %swap3A_11 = vector.load %arg4[%swap3A, %swap3A_10] : memref<3584x128xf32, #tpu.memory_space<vmem>>, vector<3584x32xf32>
    tpu.vector_store %arg4[%swap3A, %swap3A_10], %add3A_9 {strides = array<i32>} : memref<3584x128xf32, #tpu.memory_space<vmem>>, vector<3584x32xf32>,
    %get3A_12 = arith.constant 0 : index
    %get3A_13 = arith.constant 3584 : index
    %get3A_14 = vector.load %arg1[%get3A_12, %get3A_13] : memref<32x14336xf32, #tpu.memory_space<vmem>>, vector<32x3584xf32>
    %dot_general3A_15 = arith.constant dense<0.000000e+00> : vector<3584x32xf32>
    %dot_general3A_16 = tpu.matmul %get3A_14, %get3A_1, %dot_general3A_15 {dimension_numbers = #tpu.dot_dimension_numbers<[0], [1], [1], [0], [0, 1, 1, 0], [], []>, transpose_lhs_hint = false} : vector<32x3584xf32>, vector<32x32xf32>, vector<3584x32xf32> -> vector<3584x32xf32>
    %get3A_17 = arith.constant 0 : index
    %get3A_18 = arith.constant 0 : index
    %get3A_19 = vector.load %arg3[%get3A_17, %get3A_18] : memref<1x32xf32, #tpu.memory_space<vmem>>, vector<1x32xf32>
    %add3A_20 = vector.broadcast %get3A_19 : vector<1x32xf32> to vector<3584x32xf32>
    %add3A_21 = arith.addf %dot_general3A_16, %add3A_20 : vector<3584x32xf32>
    %swap3A_22 = arith.constant 0 : index
    %swap3A_23 = arith.constant 32 : index
    %swap3A_24 = vector.load %arg4[%swap3A_22, %swap3A_23] : memref<3584x128xf32, #tpu.memory_space<vmem>>, vector<3584x32xf32>
    tpu.vector_store %arg4[%swap3A_22, %swap3A_23], %add3A_21 {strides = array<i32>} : memref<3584x128xf32, #tpu.memory_space<vmem>>, vector<3584x32xf32>,
    %get3A_25 = arith.constant 0 : index
    %get3A_26 = arith.constant 7168 : index
    %get3A_27 = vector.load %arg1[%get3A_25, %get3A_26] : memref<32x14336xf32, #tpu.memory_space<vmem>>, vector<32x3584xf32>
    %dot_general3A_28 = arith.constant dense<0.000000e+00> : vector<3584x32xf32>
    %dot_general3A_29 = tpu.matmul %get3A_27, %get3A_1, %dot_general3A_28 {dimension_numbers = #tpu.dot_dimension_numbers<[0], [1], [1], [0], [0, 1, 1, 0], [], []>, transpose_lhs_hint = false} : vector<32x3584xf32>, vector<32x32xf32>, vector<3584x32xf32> -> vector<3584x32xf32>
    %get3A_30 = arith.constant 0 : index
    %get3A_31 = arith.constant 0 : index
    %get3A_32 = vector.load %arg3[%get3A_30, %get3A_31] : memref<1x32xf32, #tpu.memory_space<vmem>>, vector<1x32xf32>
    %add3A_33 = vector.broadcast %get3A_32 : vector<1x32xf32> to vector<3584x32xf32>
    %add3A_34 = arith.addf %dot_general3A_29, %add3A_33 : vector<3584x32xf32>
    %swap3A_35 = arith.constant 0 : index
    %swap3A_36 = arith.constant 64 : index
    %swap3A_37 = vector.load %arg4[%swap3A_35, %swap3A_36] : memref<3584x128xf32, #tpu.memory_space<vmem>>, vector<3584x32xf32>
    tpu.vector_store %arg4[%swap3A_35, %swap3A_36], %add3A_34 {strides = array<i32>} : memref<3584x128xf32, #tpu.memory_space<vmem>>, vector<3584x32xf32>,
    %get3A_38 = arith.constant 0 : index
    %get3A_39 = arith.constant 10752 : index
    %get3A_40 = vector.load %arg1[%get3A_38, %get3A_39] : memref<32x14336xf32, #tpu.memory_space<vmem>>, vector<32x3584xf32>
    %dot_general3A_41 = arith.constant dense<0.000000e+00> : vector<3584x32xf32>
    %dot_general3A_42 = tpu.matmul %get3A_40, %get3A_1, %dot_general3A_41 {dimension_numbers = #tpu.dot_dimension_numbers<[0], [1], [1], [0], [0, 1, 1, 0], [], []>, transpose_lhs_hint = false} : vector<32x3584xf32>, vector<32x32xf32>, vector<3584x32xf32> -> vector<3584x32xf32>
    %get3A_43 = arith.constant 0 : index
    %get3A_44 = arith.constant 0 : index
    %get3A_45 = vector.load %arg3[%get3A_43, %get3A_44] : memref<1x32xf32, #tpu.memory_space<vmem>>, vector<1x32xf32>
    %add3A_46 = vector.broadcast %get3A_45 : vector<1x32xf32> to vector<3584x32xf32>
    %add3A_47 = arith.addf %dot_general3A_42, %add3A_46 : vector<3584x32xf32>
    %swap3A_48 = arith.constant 0 : index
    %swap3A_49 = arith.constant 96 : index
    %swap3A_50 = vector.load %arg4[%swap3A_48, %swap3A_49] : memref<3584x128xf32, #tpu.memory_space<vmem>>, vector<3584x32xf32>
    tpu.vector_store %arg4[%swap3A_48, %swap3A_49], %add3A_47 {strides = array<i32>} : memref<3584x128xf32, #tpu.memory_space<vmem>>, vector<3584x32xf32>,
    return
  }
  func.func @transform_0(%arg0: i32) -> (i32, i32) {
    %c0_i32 = arith.constant 0 : i32
    %c0_i32_0 = arith.constant 0 : i32
    return %c0_i32, %arg0 : i32, i32
  }
  func.func @transform_1(%arg0: i32) -> (i32, i32) {
    %c0_i32 = arith.constant 0 : i32
    %c0_i32_0 = arith.constant 0 : i32
    %c0_i32_1 = arith.constant 0 : i32
    return %c0_i32, %c0_i32_0 : i32, i32
  }
  func.func @transform_2(%arg0: i32) -> (i32, i32) {
    %c0_i32 = arith.constant 0 : i32
    %c0_i32_0 = arith.constant 0 : i32
    %c0_i32_1 = arith.constant 0 : i32
    return %c0_i32, %c0_i32_0 : i32, i32
  }
  func.func @transform_3(%arg0: i32) -> (i32, i32) {
    %c0_i32 = arith.constant 0 : i32
    %c0_i32_0 = arith.constant 0 : i32
    return %arg0, %c0_i32 : i32, i32
  }
}

module attributes {stable_mosaic.version = 14 : i64} {
  func.func @_cw_body(%arg0: i32, %arg1: memref<16x256xf32, #tpu.memory_space<vmem>>, %arg2: memref<16x256xf32, #tpu.memory_space<vmem>>, %arg3: memref<16x256xf32, #tpu.memory_space<vmem>>, %arg4: memref<16x256xf32, #tpu.memory_space<vmem>>, %arg5: memref<32x48xf32, #tpu.memory_space<vmem>>, %arg6: memref<256x128xf32, #tpu.memory_space<vmem>>) attributes {dimension_semantics = [#tpu.dimension_semantics<arbitrary>], iteration_bounds = array<i64: 1>, scalar_prefetch = 0 : i64, scratch_operands = 0 : i64, tpu.core_type = #tpu.core_type<tc>, window_params = [{transform_indices = @transform_0, window_bounds = array<i64: 16, 256>}, {transform_indices = @transform_1, window_bounds = array<i64: 16, 256>}, {transform_indices = @transform_2, window_bounds = array<i64: 16, 256>}, {transform_indices = @transform_3, window_bounds = array<i64: 16, 256>}, {pipeline_mode = #tpu.pipeline_mode<synchronous>, transform_indices = @transform_4, window_bounds = array<i64: 32, 48>}, {transform_indices = @transform_5, window_bounds = array<i64: 256, 128>}]} {
    %get3A = arith.constant 0 : index
    %get3A_0 = arith.constant 32 : index
    %get3A_1 = vector.load %arg5[%get3A, %get3A_0] : memref<32x48xf32, #tpu.memory_space<vmem>>, vector<32x16xf32>
    %get3A_2 = arith.constant 0 : index
    %get3A_3 = arith.constant 0 : index
    %get3A_4 = vector.load %arg1[%get3A_2, %get3A_3] : memref<16x256xf32, #tpu.memory_space<vmem>>, vector<16x256xf32>
    %dot_general3A = arith.constant dense<0.000000e+00> : vector<256x32xf32>
    %dot_general3A_5 = tpu.matmul %get3A_4, %get3A_1, %dot_general3A {dimension_numbers = #tpu.dot_dimension_numbers<[0], [1], [1], [0], [0, 1, 1, 0], [], []>, transpose_lhs_hint = false} : vector<16x256xf32>, vector<32x16xf32>, vector<256x32xf32> -> vector<256x32xf32>
    %swap3A = arith.constant 0 : index
    %swap3A_6 = arith.constant 0 : index
    %swap3A_7 = vector.load %arg6[%swap3A, %swap3A_6] : memref<256x128xf32, #tpu.memory_space<vmem>>, vector<256x32xf32>
    tpu.vector_store %arg6[%swap3A, %swap3A_6], %dot_general3A_5 {strides = array<i32>} : memref<256x128xf32, #tpu.memory_space<vmem>>, vector<256x32xf32>,
    %get3A_8 = arith.constant 0 : index
    %get3A_9 = arith.constant 0 : index
    %get3A_10 = vector.load %arg2[%get3A_8, %get3A_9] : memref<16x256xf32, #tpu.memory_space<vmem>>, vector<16x256xf32>
    %dot_general3A_11 = arith.constant dense<0.000000e+00> : vector<256x32xf32>
    %dot_general3A_12 = tpu.matmul %get3A_10, %get3A_1, %dot_general3A_11 {dimension_numbers = #tpu.dot_dimension_numbers<[0], [1], [1], [0], [0, 1, 1, 0], [], []>, transpose_lhs_hint = false} : vector<16x256xf32>, vector<32x16xf32>, vector<256x32xf32> -> vector<256x32xf32>
    %swap3A_13 = arith.constant 0 : index
    %swap3A_14 = arith.constant 32 : index
    %swap3A_15 = vector.load %arg6[%swap3A_13, %swap3A_14] : memref<256x128xf32, #tpu.memory_space<vmem>>, vector<256x32xf32>
    tpu.vector_store %arg6[%swap3A_13, %swap3A_14], %dot_general3A_12 {strides = array<i32>} : memref<256x128xf32, #tpu.memory_space<vmem>>, vector<256x32xf32>,
    %get3A_16 = arith.constant 0 : index
    %get3A_17 = arith.constant 0 : index
    %get3A_18 = vector.load %arg3[%get3A_16, %get3A_17] : memref<16x256xf32, #tpu.memory_space<vmem>>, vector<16x256xf32>
    %dot_general3A_19 = arith.constant dense<0.000000e+00> : vector<256x32xf32>
    %dot_general3A_20 = tpu.matmul %get3A_18, %get3A_1, %dot_general3A_19 {dimension_numbers = #tpu.dot_dimension_numbers<[0], [1], [1], [0], [0, 1, 1, 0], [], []>, transpose_lhs_hint = false} : vector<16x256xf32>, vector<32x16xf32>, vector<256x32xf32> -> vector<256x32xf32>
    %swap3A_21 = arith.constant 0 : index
    %swap3A_22 = arith.constant 64 : index
    %swap3A_23 = vector.load %arg6[%swap3A_21, %swap3A_22] : memref<256x128xf32, #tpu.memory_space<vmem>>, vector<256x32xf32>
    tpu.vector_store %arg6[%swap3A_21, %swap3A_22], %dot_general3A_20 {strides = array<i32>} : memref<256x128xf32, #tpu.memory_space<vmem>>, vector<256x32xf32>,
    %get3A_24 = arith.constant 0 : index
    %get3A_25 = arith.constant 0 : index
    %get3A_26 = vector.load %arg4[%get3A_24, %get3A_25] : memref<16x256xf32, #tpu.memory_space<vmem>>, vector<16x256xf32>
    %dot_general3A_27 = arith.constant dense<0.000000e+00> : vector<256x32xf32>
    %dot_general3A_28 = tpu.matmul %get3A_26, %get3A_1, %dot_general3A_27 {dimension_numbers = #tpu.dot_dimension_numbers<[0], [1], [1], [0], [0, 1, 1, 0], [], []>, transpose_lhs_hint = false} : vector<16x256xf32>, vector<32x16xf32>, vector<256x32xf32> -> vector<256x32xf32>
    %swap3A_29 = arith.constant 0 : index
    %swap3A_30 = arith.constant 96 : index
    %swap3A_31 = vector.load %arg6[%swap3A_29, %swap3A_30] : memref<256x128xf32, #tpu.memory_space<vmem>>, vector<256x32xf32>
    tpu.vector_store %arg6[%swap3A_29, %swap3A_30], %dot_general3A_28 {strides = array<i32>} : memref<256x128xf32, #tpu.memory_space<vmem>>, vector<256x32xf32>,
    return
  }
  func.func @transform_0(%arg0: i32) -> (i32, i32) {
    %c0_i32 = arith.constant 0 : i32
    %c0_i32_0 = arith.constant 0 : i32
    %c0_i32_1 = arith.constant 0 : i32
    return %c0_i32, %c0_i32_0 : i32, i32
  }
  func.func @transform_1(%arg0: i32) -> (i32, i32) {
    %c0_i32 = arith.constant 0 : i32
    %c1_i32 = arith.constant 1 : i32
    %c0_i32_0 = arith.constant 0 : i32
    return %c0_i32, %c1_i32 : i32, i32
  }
  func.func @transform_2(%arg0: i32) -> (i32, i32) {
    %c0_i32 = arith.constant 0 : i32
    %c2_i32 = arith.constant 2 : i32
    %c0_i32_0 = arith.constant 0 : i32
    return %c0_i32, %c2_i32 : i32, i32
  }
  func.func @transform_3(%arg0: i32) -> (i32, i32) {
    %c0_i32 = arith.constant 0 : i32
    %c3_i32 = arith.constant 3 : i32
    %c0_i32_0 = arith.constant 0 : i32
    return %c0_i32, %c3_i32 : i32, i32
  }
  func.func @transform_4(%arg0: i32) -> (i32, i32) {
    %c0_i32 = arith.constant 0 : i32
    %c0_i32_0 = arith.constant 0 : i32
    %c0_i32_1 = arith.constant 0 : i32
    return %c0_i32, %c0_i32_0 : i32, i32
  }
  func.func @transform_5(%arg0: i32) -> (i32, i32) {
    %c0_i32 = arith.constant 0 : i32
    %c0_i32_0 = arith.constant 0 : i32
    return %arg0, %c0_i32 : i32, i32
  }
}

</mosaic_0001>

<sc_bundles>
// kernel: sc_gather_add.3.cloned.1.call-start
scs
__scs_entry_jumppad:
0x0: {  	(pc) =	sbr.rel $0x88, $3  }
0x1: {  	(tag) =	ssettag $0x0;
	lr =	simm.s32 $0x1  }
0x2: {  	[smem:$0x3F9B] =	sst lr;
	_ =	strace $0xD0000000  }
0x3: {  	_ = 	snop  }
0x4: {  	_ = 	snop  }
0x5: {  	_ = 	snop  }
0x6: {  	_ = 	snop  }
0x7: {  	_ = 	snop  }
__scs_overlays_trampoline_lowered:
0x8: {  	[smem:$0x3FAA] =	sst s0  }
0x9: {  	[smem:$0x3FAB] =	sst s1  }
0xa: {  	[smem:$0x3FAC] =	sst s2  }
0xb: {  	[smem:$0x3FAD] =	sst s3  }
0xc: {  	[smem:$0x3FAE] =	sst s4  }
0xd: {  	[smem:$0x3FAF] =	sst s5  }
0xe: {  	[smem:$0x3FB0] =	sst s6  }
0xf: {  	[smem:$0x3FB1] =	sst s7  }
0x10: {  	[smem:$0x3FB2] =	sst s8  }
0x11: {  	[smem:$0x3FB3] =	sst s9;
	s0 =	simm.s32 @!p0 $0x0  }
0x12: {  	s1 =	sld [smem:$0x3F99];
	s0 =	simm.s32 @p0 $0x1  }
0x13: {  	[smem:$0x3FB4] =	sst s0;
	s0 =	simm.s32 @!p1 $0x0  }
0x14: {  	s2 =	sld [smem:$0x3F98];
	s0 =	simm.s32 @p1 $0x1  }
0x15: {  	[smem:$0x3FB5] =	sst s0;
	s0 =	simm.s32 @!p2 $0x0  }
0x16: {  	s3 =	sld [smem:$0x3FDB];
	s0 =	simm.s32 @p2 $0x1  }
0x17: {  	s4 =	simm.s32 $0x1BF5;
	[smem:$0x3FB7] =	sst s0  }
0x18: {  	s0 =	sld [smem:$0x3F9A];
	_ =	swait.ge [sflag:s4], $0x0  }
0x19: {  	s7 =	sld [smem:$0x3F9B]  }
0x1a: {  	s8 =	sadd.s32 $0xFFFFE003, lr  }
0x1b: {  	s9 =	sadd.s32 $0xFFFFFEF7, lr;
	s5 =	simm.s32 $0xFFFFFFFF;
	p2 =	slt.u32 s8, $0xFFFFF086  }
0x1c: {  	p1 =	slt.u32 s9, $0xF7A;
	s5 =	simm.s32 @!p2 $0x0  }
0x1d: {  	s5 =	simm.s32 @p1 $0x1;
	p0 =	seq.s32 s7, s2  }
0x1e: {  	s7 =	smul.u32 @!p0 $0xF7A, s2;
	p2 =	seq.s32 @!p0 s5, $0x0  }
0x1f: {  	s9 =	smul.u32 $0xF7A, s1;
	s8 =	simm.s32 @!p0 $0x1BF5;
	p2 =	por !p2, p0  }
0x20: {  	[sflag:s8] =	ssyncset.s32 @!p0 $0xFFFFF086;
	s6 =	sadd.s32 @!p0 s3, s7;
	s7 =	simm.s32 @!p0 $0x108  }
0x21: {  	s3 =	sadd.s32 s3, s9;
	s6 =	sadd.s32 @!p0 $0x88, s6;
	s7 =	simm.s32 @p2 $0x1082  }
0x22: {  	[simem:s7], [sflag:s8] =	dma.local @!p0 [hbm:s6], $0xF7A  }
0x23: {  	s9 =	sor.u32 $0xD0000000, s2;
	s6 =	simm.s32 $0x108;
	_ =	swait.ge @!p0 [sflag:s8], $0x0  }
0x24: {  	s3 =	sadd.s32 $0x88, s3;
	s6 =	simm.s32 @!p1 $0x1082;
	[sflag:s4] =	ssyncset.s32 $0xFFFFF086  }
0x25: {  	[simem:s6], [sflag:s4] =	dma.local [hbm:s3], $0xF7A  }
0x26: {  	[smem:$0x3F9B] =	sst s1;
	(tag) =	ssettag s2;
	_ =	strace s9  }
0x27: {  	s1 =	sld [smem:$0x3FAB]  }
0x28: {  	s2 =	sld [smem:$0x3FAC]  }
0x29: {  	s4 =	sld [smem:$0x3FAE]  }
0x2a: {  	p0 =	seq.s32 s5, $0x0;
	s5 =	sld [smem:$0x3FAF]  }
0x2b: {  	s6 =	sld [smem:$0x3FB0]  }
0x2c: {  	s7 =	sld [smem:$0x3FB1]  }
0x2d: {  	s3 =	simm.s32 $0x108;
	s8 =	sld [smem:$0x3FB2]  }
0x2e: {  	s3 =	simm.s32 @!p0 $0x1082;
	s9 =	sld [smem:$0x3FB3]  }
0x2f: {  	lr =	sadd.s32 s0, s3;
	s0 =	sld [smem:$0x3FAA]  }
0x30: {  	s3 =	sld [smem:$0x3FAD]  }
0x31: {  	[smem:$0x3FB6] =	sst s10  }
0x32: {  	s10 =	sld [smem:$0x3FB4];
	_ =	sdelay $0x3  }
0x33: {  	p0 =	seq.s32 s10, $0x1;
	s10 =	sld [smem:$0x3FB6];
	_ =	sdelay $0x3  }
0x34: {  	[smem:$0x3FB6] =	sst s10  }
0x35: {  	s10 =	sld [smem:$0x3FB5];
	_ =	sdelay $0x3  }
0x36: {  	p1 =	seq.s32 s10, $0x1;
	s10 =	sld [smem:$0x3FB6];
	_ =	sdelay $0x3  }
0x37: {  	[smem:$0x3FB6] =	sst s10  }
0x38: {  	s10 =	sld [smem:$0x3FB7]  }
0x39: {  	_ = 	snop;
	(pc) =	sbr.ind lr, $3  }
0x3a: {  	_ = 	snop  }
0x3b: {  	_ = 	snop  }
0x3c: {  	p2 =	seq.s32 s10, $0x1;
	s10 =	sld [smem:$0x3FB6]  }
0x3d: {  	_ =	shalt  }
0x3e: {  	_ =	shalt  }
0x3f: {  	_ =	shalt  }
0x40: {  	_ =	shalt  }
0x41: {  	_ =	shalt  }
0x42: {  	_ =	shalt  }
0x43: {  	_ =	shalt  }
0x44: {  	_ =	shalt  }
0x45: {  	_ =	shalt  }
0x46: {  	_ =	shalt  }
0x47: {  	_ =	shalt  }
0x48: {  	_ =	shalt  }
0x49: {  	_ =	shalt  }
0x4a: {  	_ =	shalt  }
0x4b: {  	_ =	shalt  }
0x4c: {  	_ =	shalt  }
0x4d: {  	_ =	shalt  }
0x4e: {  	_ =	shalt  }
0x4f: {  	_ =	shalt  }
0x50: {  	_ =	shalt  }
0x51: {  	_ =	shalt  }
0x52: {  	_ =	shalt  }
0x53: {  	_ =	shalt  }
0x54: {  	_ =	shalt  }
0x55: {  	_ =	shalt  }
0x56: {  	_ =	shalt  }
0x57: {  	_ =	shalt  }
0x58: {  	_ =	shalt  }
0x59: {  	_ =	shalt  }
0x5a: {  	_ =	shalt  }
0x5b: {  	_ =	shalt  }
0x5c: {  	_ =	shalt  }
0x5d: {  	_ =	shalt  }
0x5e: {  	_ =	shalt  }
0x5f: {  	_ =	shalt  }
0x60: {  	_ =	shalt  }
0x61: {  	_ =	shalt  }
0x62: {  	_ =	shalt  }
0x63: {  	_ =	shalt  }
0x64: {  	_ =	shalt  }
0x65: {  	_ =	shalt  }
0x66: {  	_ =	shalt  }
0x67: {  	_ =	shalt  }
0x68: {  	_ =	shalt  }
0x69: {  	_ =	shalt  }
0x6a: {  	_ =	shalt  }
0x6b: {  	_ =	shalt  }
0x6c: {  	_ =	shalt  }
0x6d: {  	_ =	shalt  }
0x6e: {  	_ =	shalt  }
0x6f: {  	_ =	shalt  }
0x70: {  	_ =	shalt  }
0x71: {  	_ =	shalt  }
0x72: {  	_ =	shalt  }
0x73: {  	_ =	shalt  }
0x74: {  	_ =	shalt  }
0x75: {  	_ =	shalt  }
0x76: {  	_ =	shalt  }
0x77: {  	_ =	shalt  }
0x78: {  	_ =	shalt  }
0x79: {  	_ =	shalt  }
0x7a: {  	_ =	shalt  }
0x7b: {  	_ =	shalt  }
0x7c: {  	_ =	shalt  }
0x7d: {  	_ =	shalt  }
0x7e: {  	_ =	shalt  }
0x7f: {  	_ =	shalt  }
0x80: {  	_ =	shalt  }
0x81: {  	_ =	shalt  }
0x82: {  	_ =	shalt  }
0x83: {  	_ =	shalt  }
0x84: {  	_ =	shalt  }
0x85: {  	_ =	shalt  }
0x86: {  	_ =	shalt  }
0x87: {  	_ =	shalt  }
.Lfunc_end0:
.L_simem_size_0:
called_computation_lowered:
.L_overlay_start_0:
0x88: {  	s2 =	sld [smem:$0x3FD9]  }
0x89: {  	s3 =	sld [smem:$0x3FFE];
	_ =	sdelay $0x1  }
0x8a: {  	s1 =	srdreg.scid  }
0x8b: {  	s0 =	sand.u32 $0x1, s1  }
0x8c: {  	s17 =	sshll.u32 s0, $0xA;
	s2 =	sadd.s32 s3, s2  }
0x8d: {  	s2 =	sadd.s32 s2, s17  }
0x8e: {  	[smem:$0x3FC2] =	sst s2  }
0x8f: {  	_ = 	snop  }
0x90: {  	s2 =	sld [smem:$0x3FD0];
	(tm) =	ssettm $0x1  }
0x91: {  	s18 =	sld [smem:$0x3FFB];
	_ =	sdelay $0x3  }
0x92: {  	_ =	strace s18  }
0x93: {  	s3 =	sld [smem:$0x3FFC];
	_ =	sdelay $0x3  }
0x94: {  	_ =	strace s3  }
0x95: {  	s3 =	sld [smem:$0x3FFD];
	_ =	sdelay $0x3  }
0x96: {  	_ =	strace s3  }
0x97: {  	_ =	strace $0x8FFFFFFF  }
0x98: {  	s19 =	sld [smem:$0x3FDB];
	_ =	sdelay $0x1  }
0x99: {  	s4 =	simm.s32 $_scs_section_size  }
0x9a: {  	s5 =	simm.s32 $_size__tile_overlayer_lowered;
	s6 =	simm.s32 $_tile_overlayer_lowered  }
0x9b: {  	s22 =	simm.s32 $0x1BFF;
	s21 =	sshll.u32 s6, $0x1;
	s3 =	sadd.s32 s4, s19  }
0x9c: {  	s7 =	simm.s32 $0x0;
	s20 =	sshll.u32 s5, $0x1;
	s5 =	sadd.s32 s21, s3  }
0x9d: {  	[timem:s7], [sflag:s22] =	dma.local [hbm:s5], s20  }
0x9e: {  	_ =	swait.ge [sflag:s22], s20  }
0x9f: {  	s4 =	ssub.s32 $0x0, s20;
	[sflag:s22] =	ssyncset.done $0x0  }
0xa0: {  	[sflag:s22] =	ssyncadd.s32 s4;
	_ =	sdelay $0x1  }
0xa1: {  	s23 =	simm.s32 $0x1B8B  }
0xa2: {  	_ =	swait.ge [sflag:s23], $0x1  }
0xa3: {  	[sflag:s23] =	ssyncset.done $0x0  }
0xa4: {  	s25 =	simm.s32 $0x1B8E;
	s24 =	sld [smem:$0x3FFE];
	[sflag:s23] =	ssyncadd.s32 $0xFFFFFFFF  }
0xa5: {  	s26 =	simm.s32 $execute0_lowered;
	[smem:$0x3FD2] =	sst s25  }
0xa6: {  	s5 =	sshll.u32 s26, $0x1;
	_ =	strace $0x80000046;
	[dreg:$0x1] =	wrdreg $0xFFFFFFFF  }
0xa7: {  	s28 =	simm.s32 $_size_execute0_lowered;
	s3 =	sadd.s32 s3, s5;
	[dreg:$0x0] =	wrdreg $0x0  }
0xa8: {  	s5 =	sshll.u32 s28, $0x1;
	[dreg:$0x2] =	wrdreg s3  }
0xa9: {  	[dreg:$0x3] =	wrdreg s5  }
0xaa: {  	[dreg:$0x4] =	wrdreg $0xC0  }
0xab: {  	_ =	task [dreg:s7], $0x5FFFF  }
0xac: {  	[dreg:$0x1] =	wrdreg $0xFFFFFFFF  }
0xad: {  	[dreg:$0x0] =	wrdreg $0x60  }
0xae: {  	[dreg:$0x2] =	wrdreg s24  }
0xaf: {  	[dreg:$0x3] =	wrdreg s2  }
0xb0: {  	[dreg:$0x4] =	wrdreg $0x9  }
0xb1: {  	_ =	task.clear_ibuf [dreg:s7], $0x5FFFF;
	_ =	strace $0x90000046  }
0xb2: {  	s29 =	simm.s32 $0x9;
	_ =	strace $0x80000048  }
0xb3: {  	_ =	swait.ge [sflag:s29], $0x1  }
0xb4: {  	[sflag:s29] =	ssyncadd.s32 $0xFFFFFFFF  }
0xb5: {  	_ =	strace $0x90000048  }
0xb6: {  	_ =	sfence  }
0xb7: {  	s30 =	sld [smem:$0x0];
	_ =	sdelay $0x2  }
0xb8: {  	s31 =	sshll.u32 s1, $0xD;
	s1 =	sshrl.u32 s1, $0x2  }
0xb9: {  	s3 =	sand.u32 $0x4000, s31;
	s1 =	sadd.s32 s1, s30  }
0xba: {  	s0 =	sor.u32 s3, s0;
	s1 =	sshll.u32 s1, $0x11  }
0xbb: {  	s0 =	sor.u32 s1, s0  }
0xbc: {  	s0 =	sadd.s32 $0x8F2B, s0  }
0xbd: {  	[sflag:s0] =	ssyncadd.remote.s32 $0x1  }
0xbe: {  	_ =	sfence.sel $0xFFFF  }
0xbf: {  	[dreg:$0x0] =	wrdreg $0xFFFFFFFF;
	(pc) =	sbr.abs _section_cstart, $3  }
0xc0: {  	[dreg:$0x1] =	wrdreg $0xFFFFFFFF  }
0xc1: {  	_ =	task.clear_ibuf [dreg:s7], $0x2FFFF;
	_ =	strace $0x9FFFFFFF  }
0xc2: {  	(tm) =	ssettm $0x7FFFFFFF  }
0xc3: {  	_ =	shalt  }
tec
execute0_lowered:
.L_overlay_start_1:
0x0: {  	(tag) =	ssettag $0x1  }
0x1: {  	s1 =	srdreg.scid;
	s4 =	rddreg [dreg:$0x0]  }
0x2: {  	s0 =	stileid.u32;
	s7 =	rddreg [dreg:$0x1]  }
0x3: {  	s2 =	simm.s32 $0x0;
	s11 =	simm.s32 $0x400;
	s12 =	simm.s32 $0x4400  }
0x4: {  	s13 =	simm.s32 $0x1;
	s14 =	simm.s32 $0x2;
	s15 =	simm.s32 $0x0  }
0x5: {  	s3 =	sand.u32 $0x1, s1;
	s5 =	sshll.u32 s0, $0xA;
	s1 =	rddreg [dreg:$0x2]  }
0x6: {  	[smem:$0x7FF] =	sst s2;
	s6 =	sshll.u32 s3, $0x9;
	s30 =	ssub.s32 $0x2, s3  }
0x7: {  	_ =	strace $0x80000047;
	s8 =	sor.u32 s6, s5;
	s31 =	sshrl.u32 s30, $0x1  }
0x8: {  	s3 =	sadd.s32 $0x3000, s4;
	s5 =	sshrl.u32 s8, $0x3;
	s10 =	ssub.s32 s30, s31  }
0x9: {  	s8 =	sshll.u32 s8, $0x2;
	s9 =	sadd.s32 s5, s4;
	s4 =	sadd.s32 $0x2000, s4  }
0xa: {  	s7 =	sadd.s32 s7, s8;
	s8 =	smax.u32 s10, $0x1;
	s10 =	simm.s32 $0x200  }
0xb: {  	s5 =	sadd.s32 $0x1000, s9;
	s6 =	sadd.s32 $0x1800, s9;
	s9 =	simm.s32 $0x3  }
.LBB2_1:
0xc: {  	[tilespmem:s2], [sflag:$0x3] =	stream.linear.gather [hbm4b:s5+s2], $0x200, $0x38;
	[tilespmem:$0x8400] =	vst v63  }
0xd: {  	_ =	swait.ge [sflag:s9], $0x200  }
0xe: {  	[sflag:s9] =	ssyncset.done $0x0  }
0xf: {  	[sflag:s9] =	ssyncadd.s32 $0xFFFFFE00  }
0x10: {  	[tilespmem:s10], [sflag:$0x3] =	stream.linear.gather [hbm4b:s6+s2], $0x200, $0x38;
	[tilespmem:$0x8400] =	vst v63  }
0x11: {  	_ =	swait.ge [sflag:s9], $0x200  }
0x12: {  	[sflag:s9] =	ssyncset.done $0x0  }
0x13: {  	[sflag:s9] =	ssyncadd.s32 $0xFFFFFE00  }
0x14: {  	[tilespmem:s11], [sflag:$0x1] =	stream.indirect.gather [hbm4b:s3+s10], $0x20, s2, s10, $0xb8;
	[tilespmem:$0x8400] =	vst v63  }
0x15: {  	_ = 	snop  }
0x16: {  	[tilespmem:s12], [sflag:$0x2] =	stream.indirect.gather [hbm4b:s4+s10], $0x20, s10, s10, $0xb8;
	[tilespmem:$0x8400] =	vst v63  }
0x17: {  	_ =	swait.ge [sflag:s13], $0x4000  }
0x18: {  	[sflag:s13] =	ssyncset.done $0x0  }
0x19: {  	[sflag:s13] =	ssyncadd.s32 $0xFFFFC000  }
0x1a: {  	_ =	swait.ge [sflag:s14], $0x4000  }
0x1b: {  	[sflag:s14] =	ssyncset.done $0x0  }
0x1c: {  	s16 =	simm.s32 $0x0;
	[sflag:s14] =	ssyncadd.s32 $0xFFFFC000  }
0x1d: {  	v0 =	vld [tilespmem:s16+$0x4400]  }
0x1e: {  	v1 =	vld [tilespmem:s16+$0x4410]  }
0x1f: {  	s17 =	simm.s32 $0x80;
	v2 =	vld [tilespmem:s16+$0x400]  }
.LBB2_2:
0x20: {  	p0 =	sne.s32 s17, $0xFF80;
	v3 =	vld [tilespmem:s16+$0x410];
	_ =	sdelay $0x2  }
.Ltmp0:
0x21: {  	(pc) =	sbr.rel @p0 .LBB2_2-.Ltmp0, $4  }
0x22: {  	s18 =	sshra.s32 s17, $0x2;
	v2 =	vadd.f32 v0, v2  }
0x23: {  	v0 =	vld [tilespmem:s18+$0x4400];
	v3 =	vadd.f32 v1, v3  }
0x24: {  	v1 =	vld [tilespmem:s18+$0x4410];
	[tilespmem:s16+$0x400] =	vst v2  }
0x25: {  	s17 =	sadd.s32 $0x80, s17;
	v2 =	vld [tilespmem:s18+$0x400];
	[tilespmem:s16+$0x410] =	vst v3;
	s16 =	smov.u32 s18  }
0x26: {  	v3 =	vld [tilespmem:s16+$0x410];
	_ =	sdelay $0x3  }
0x27: {  	v0 =	vadd.f32 v0, v2  }
0x28: {  	s15 =	sadd.s32 $0x1, s15;
	v1 =	vadd.f32 v1, v3  }
0x29: {  	p0 =	sne.s32 s15, s8;
	[tilespmem:s16+$0x400] =	vst v0  }
.Ltmp1:
0x2a: {  	[tilespmem:s16+$0x410] =	vst v1;
	(pc) =	sbr.rel @p0 .LBB2_1-.Ltmp1, $4  }
0x2b: {  	[hbm4b:s7+s2] =	stream.linear.scatter [tilespmem:s11], [sflag:$0x3], $0x4000, $0x38;
	[tilespmem:$0x8400] =	vst v63  }
0x2c: {  	_ =	swait.ge [sflag:s9], $0x4000  }
0x2d: {  	[sflag:s9] =	ssyncset.done $0x0  }
0x2e: {  	[sflag:s9] =	ssyncadd.s32 $0xFFFFC000  }
0x2f: {  	_ =	sfence.sel $0x180000  }
0x30: {  	[bflag:$0x0] =	sbarrier.arrive $0xFFFF  }
0x31: {  	p0 =	sne.s32 s0, $0x0;
	_ =	strace $0x90000047  }
0x32: {  	s0 =	sadd.s32 @!p0 $0x100000, s1;
	[bflag:$0x2] =	sbarrier.arrive $0xFFFF  }
0x33: {  	[sflag:s0] =	ssyncadd.tile.s32 @!p0 $0x1;
	_ =	shalt  }
.Lfunc_end2:
_tile_overlayer_lowered:
.L_overlay_start_2:
0x34: {  	(tag) =	ssettag $0x2  }
0x35: {  	s0 =	rddreg [dreg:$0x0];
	s2 =	stileid.u32  }
0x36: {  	s1 =	rddreg [dreg:$0x1];
	p0 =	sne.s32 s2, $0x0  }
0x37: {  	s3 =	rddreg [dreg:$0x2];
	[bflag:$0x3] =	sbarrier.arrive $0xFFFF;
	s2 =	simm.s32 @!p0 $0x1C03  }
0x38: {  	[timem:s3], [sflag:s2] =	dma.local @!p0 [hbm:s0], s1  }
0x39: {  	s0 =	simm.s32 @!p0 $0x3  }
0x3a: {  	_ =	swait.ge @!p0 [sflag:s0], s1  }
0x3b: {  	s1 =	ssub.s32 @!p0 $0x0, s1;
	[sflag:s0] =	ssyncset.done @!p0 $0x0  }
0x3c: {  	[sflag:s0] =	ssyncadd.s32 @!p0 s1  }
0x3d: {  	[bflag:$0x3] =	sbarrier.arrive $0xFFFF  }
0x3e: {  	_ =	shalt  }

</sc_bundles>
